<compile_context>
chip_gen: v7x
topology: tpu7x:2x2x1
jax: 0.10.2.dev20260603
libtpu: 0.0.44.dev20260713+nightly
codegen_flags: <defaults>
</compile_context>

<pallas_src>
import functools

import jax
import jax.numpy as jnp
from jax.experimental import pallas as pl

NUM_SELECT = 300
B, N, D, L = 8, 20000, 256, 92
BN = 2000


def _prob_kernel(logits_ref, wt_ref, prob_ref):
    x = logits_ref[0]
    p = jax.nn.sigmoid(x)
    prob_ref[0] = jnp.dot(p, wt_ref[...], preferred_element_type=jnp.float32)


def _compute_prob(pred_logits, wt):
    grid = (B, N // BN)
    return pl.pallas_call(
        _prob_kernel,
        grid=grid,
        in_specs=[
            pl.BlockSpec((1, BN, D), lambda b, n: (b, n, 0)),
            pl.BlockSpec((D, L), lambda b, n: (0, 0)),
        ],
        out_specs=pl.BlockSpec((1, BN, L), lambda b, n: (b, n, 0)),
        out_shape=jax.ShapeDtypeStruct((B, N, L), jnp.float32),
    )(pred_logits, wt)


def box_cxcywh_to_xyxy(b):
    cx, cy, w, h = jnp.split(b, 4, axis=-1)
    return jnp.concatenate(
        [cx - 0.5 * w, cy - 0.5 * h, cx + 0.5 * w, cy + 0.5 * h], axis=-1)


@jax.jit
def kernel(pred_logits, pred_boxes, target_sizes, positive_maps):
    wt = jnp.swapaxes(positive_maps, 1, 2)[0]
    prob = _compute_prob(pred_logits, wt)
    flat = prob.reshape(B, -1)
    topk_values, topk_indexes = jax.lax.top_k(flat, NUM_SELECT)
    scores = topk_values
    topk_boxes = topk_indexes // L
    labels = topk_indexes % L
    boxes = box_cxcywh_to_xyxy(pred_boxes)
    gather_idx = jnp.broadcast_to(topk_boxes[..., None], (B, NUM_SELECT, 4))
    boxes = jnp.take_along_axis(boxes, gather_idx, axis=1)
    img_h = target_sizes[:, 0]
    img_w = target_sizes[:, 1]
    scale_fct = jnp.stack([img_w, img_h, img_w, img_h], axis=1).astype(boxes.dtype)
    boxes = boxes * scale_fct[:, None, :]
    return scores, labels, boxes

# --- scband reference (transcript-rebuilt; emitter-appended) ---
"""Pipeline reference for scband-post-process-coco-grounding-10153302688160 (READ-ONLY COPY).

The authoritative reference and input builder live on the scoring server;
editing this copy changes nothing except your own understanding.
"""

import jax, jax.numpy as jnp
import numpy as np

NUM_SELECT = 300
B, N, D, L = 8, 20000, 256, 92


def box_cxcywh_to_xyxy(b):
    cx, cy, w, h = jnp.split(b, 4, axis=-1)
    return jnp.concatenate([cx - 0.5 * w, cy - 0.5 * h, cx + 0.5 * w, cy + 0.5 * h], axis=-1)


def setup_inputs(seed: int = 0):
    key = jax.random.key(seed)
    k1, k2, k3, k4 = jax.random.split(key, 4)
    pred_logits = jax.random.normal(k1, (B, N, D), dtype=jnp.float32)
    pred_boxes = jax.random.uniform(k2, (B, N, 4), dtype=jnp.float32)
    target_sizes = jax.random.randint(k3, (B, 2), 480, 1333)
    # learned/constructed state: positive map from category token spans (92 COCO ids x 256 tokens)
    positive_maps = jax.random.uniform(k4, (1, L, D), dtype=jnp.float32)
    return {"pred_logits": pred_logits, "pred_boxes": pred_boxes, "target_sizes": target_sizes, "positive_maps": positive_maps}


def reference(pred_logits, pred_boxes, target_sizes, positive_maps):
    prob_to_token = jax.nn.sigmoid(pred_logits)  # [B, N, D]
    # prob_to_token @ positive_maps.transpose(1, 2)  -> [B, N, L] (broadcast over map dim)
    prob = jnp.matmul(prob_to_token, jnp.swapaxes(positive_maps, 1, 2))
    bsz = pred_logits.shape[0]
    flat = prob.reshape(bsz, -1)
    topk_values, topk_indexes = jax.lax.top_k(flat, NUM_SELECT)
    scores = topk_values
    topk_boxes = topk_indexes // prob.shape[2]
    labels = topk_indexes % prob.shape[2]
    boxes = box_cxcywh_to_xyxy(pred_boxes)
    gather_idx = jnp.broadcast_to(topk_boxes[..., None], (bsz, NUM_SELECT, 4))
    boxes = jnp.take_along_axis(boxes, gather_idx, axis=1)
    img_h = target_sizes[:, 0]
    img_w = target_sizes[:, 1]
    scale_fct = jnp.stack([img_w, img_h, img_w, img_h], axis=1).astype(boxes.dtype)
    boxes = boxes * scale_fct[:, None, :]
    return scores, labels, boxes

if __name__ == "__main__":
    import jax
    _d = setup_inputs()
    print(jax.jit(kernel)(*tuple(_d.values())))

</pallas_src>

<mosaic_0001>
module attributes {stable_mosaic.version = 14 : i64} {
  func.func @_prob_kernel(%arg0: i32, %arg1: i32, %arg2: memref<1x2000x256xf32, #tpu.memory_space<vmem>>, %arg3: memref<256x92xf32, #tpu.memory_space<vmem>>, %arg4: memref<1x2000x92xf32, #tpu.memory_space<vmem>>) attributes {dimension_semantics = [#tpu.dimension_semantics<arbitrary>, #tpu.dimension_semantics<arbitrary>], iteration_bounds = array<i64: 8, 10>, scalar_prefetch = 0 : i64, scratch_operands = 0 : i64, tpu.core_type = #tpu.core_type<tc>, window_params = [{transform_indices = @transform_0, window_bounds = array<i64: 1, 2000, 256>}, {pipeline_mode = #tpu.pipeline_mode<synchronous>, transform_indices = @transform_1, window_bounds = array<i64: 256, 92>}, {transform_indices = @transform_2, window_bounds = array<i64: 1, 2000, 92>}]} {
    %get3A = arith.constant 0 : index
    %get3A_0 = arith.constant 0 : index
    %get3A_1 = arith.constant 0 : index
    %get3A_2 = vector.load %arg2[%get3A, %get3A_0, %get3A_1] : memref<1x2000x256xf32, #tpu.memory_space<vmem>>, vector<1x2000x256xf32>
    %get3A_3 = vector.shape_cast %get3A_2 : vector<1x2000x256xf32> to vector<2000x256xf32>
    %logistic3A = arith.negf %get3A_3 : vector<2000x256xf32>
    %logistic3A_4 = math.exp %logistic3A : vector<2000x256xf32>
    %logistic3A_5 = arith.constant 1.000000e+00 : f32
    %logistic3A_6 = vector.broadcast %logistic3A_5 : f32 to vector<2000x256xf32>
    %logistic3A_7 = arith.addf %logistic3A_6, %logistic3A_4 : vector<2000x256xf32>
    %logistic3A_8 = arith.divf %logistic3A_6, %logistic3A_7 : vector<2000x256xf32>
    %get3A_9 = arith.constant 0 : index
    %get3A_10 = arith.constant 0 : index
    %get3A_11 = vector.load %arg3[%get3A_9, %get3A_10] : memref<256x92xf32, #tpu.memory_space<vmem>>, vector<256x92xf32>
    %dot_general3A = arith.constant dense<0.000000e+00> : vector<2000x92xf32>
    %dot_general3A_12 = tpu.matmul %logistic3A_8, %get3A_11, %dot_general3A {dimension_numbers = #tpu.dot_dimension_numbers<[1], [0], [0], [1], [0, 0, 1, 1], [], []>, transpose_lhs_hint = false} : vector<2000x256xf32>, vector<256x92xf32>, vector<2000x92xf32> -> vector<2000x92xf32>
    %swap3A = arith.constant 0 : index
    %swap3A_13 = arith.constant 0 : index
    %swap3A_14 = arith.constant 0 : index
    %swap3A_15 = vector.load %arg4[%swap3A, %swap3A_13, %swap3A_14] : memref<1x2000x92xf32, #tpu.memory_space<vmem>>, vector<1x2000x92xf32>
    %swap3A_16 = vector.shape_cast %swap3A_15 : vector<1x2000x92xf32> to vector<2000x92xf32>
    %swap3A_17 = vector.shape_cast %dot_general3A_12 : vector<2000x92xf32> to vector<1x2000x92xf32>
    tpu.vector_store %arg4[%swap3A, %swap3A_13, %swap3A_14], %swap3A_17 {strides = array<i32>} : memref<1x2000x92xf32, #tpu.memory_space<vmem>>, vector<1x2000x92xf32>,
    return
  }
  func.func @transform_0(%arg0: i32, %arg1: i32) -> (i32, i32, i32) {
    %c0_i32 = arith.constant 0 : i32
    %c0_i32_0 = arith.constant 0 : i32
    return %arg0, %arg1, %c0_i32 : i32, i32, i32
  }
  func.func @transform_1(%arg0: i32, %arg1: i32) -> (i32, i32) {
    %c0_i32 = arith.constant 0 : i32
    %c0_i32_0 = arith.constant 0 : i32
    %c0_i32_1 = arith.constant 0 : i32
    return %c0_i32, %c0_i32_0 : i32, i32
  }
  func.func @transform_2(%arg0: i32, %arg1: i32) -> (i32, i32, i32) {
    %c0_i32 = arith.constant 0 : i32
    %c0_i32_0 = arith.constant 0 : i32
    return %arg0, %arg1, %c0_i32 : i32, i32, i32
  }
}

</mosaic_0001>

<sc_bundles>
// kernel: gather_offload_async_start
scs
__scs_entry_jumppad:
0x0: {  	(pc) =	sbr.rel $0x88, $3  }
0x1: {  	(tag) =	ssettag $0x0;
	lr =	simm.s32 $0x1  }
0x2: {  	[smem:$0x3F9D] =	sst lr;
	_ =	strace $0xD0000000  }
0x3: {  	_ = 	snop  }
0x4: {  	_ = 	snop  }
0x5: {  	_ = 	snop  }
0x6: {  	_ = 	snop  }
0x7: {  	_ = 	snop  }
__scs_overlays_trampoline_lowered:
0x8: {  	[smem:$0x3FAC] =	sst s0  }
0x9: {  	[smem:$0x3FAD] =	sst s1  }
0xa: {  	[smem:$0x3FAE] =	sst s2  }
0xb: {  	[smem:$0x3FAF] =	sst s3  }
0xc: {  	[smem:$0x3FB0] =	sst s4  }
0xd: {  	[smem:$0x3FB1] =	sst s5  }
0xe: {  	[smem:$0x3FB2] =	sst s6  }
0xf: {  	[smem:$0x3FB3] =	sst s7  }
0x10: {  	[smem:$0x3FB4] =	sst s8  }
0x11: {  	[smem:$0x3FB5] =	sst s9;
	s0 =	simm.s32 @!p0 $0x0  }
0x12: {  	s1 =	sld [smem:$0x3F9B];
	s0 =	simm.s32 @p0 $0x1  }
0x13: {  	[smem:$0x3FB6] =	sst s0;
	s0 =	simm.s32 @!p1 $0x0  }
0x14: {  	s2 =	sld [smem:$0x3F9A];
	s0 =	simm.s32 @p1 $0x1  }
0x15: {  	[smem:$0x3FB7] =	sst s0;
	s0 =	simm.s32 @!p2 $0x0  }
0x16: {  	s3 =	sld [smem:$0x3FDB];
	s0 =	simm.s32 @p2 $0x1  }
0x17: {  	s4 =	simm.s32 $0x1BF5;
	[smem:$0x3FB9] =	sst s0  }
0x18: {  	s0 =	sld [smem:$0x3F9C];
	_ =	swait.ge [sflag:s4], $0x0  }
0x19: {  	s7 =	sld [smem:$0x3F9D]  }
0x1a: {  	s8 =	sadd.s32 $0xFFFFE003, lr  }
0x1b: {  	s9 =	sadd.s32 $0xFFFFFEF7, lr;
	s5 =	simm.s32 $0xFFFFFFFF;
	p2 =	slt.u32 s8, $0xFFFFF086  }
0x1c: {  	p1 =	slt.u32 s9, $0xF7A;
	s5 =	simm.s32 @!p2 $0x0  }
0x1d: {  	s5 =	simm.s32 @p1 $0x1;
	p0 =	seq.s32 s7, s2  }
0x1e: {  	s7 =	smul.u32 @!p0 $0xF7A, s2;
	p2 =	seq.s32 @!p0 s5, $0x0  }
0x1f: {  	s9 =	smul.u32 $0xF7A, s1;
	s8 =	simm.s32 @!p0 $0x1BF5;
	p2 =	por !p2, p0  }
0x20: {  	[sflag:s8] =	ssyncset.s32 @!p0 $0xFFFFF086;
	s6 =	sadd.s32 @!p0 s3, s7;
	s7 =	simm.s32 @!p0 $0x108  }
0x21: {  	s3 =	sadd.s32 s3, s9;
	s6 =	sadd.s32 @!p0 $0x88, s6;
	s7 =	simm.s32 @p2 $0x1082  }
0x22: {  	[simem:s7], [sflag:s8] =	dma.local @!p0 [hbm:s6], $0xF7A  }
0x23: {  	s9 =	sor.u32 $0xD0000000, s2;
	s6 =	simm.s32 $0x108;
	_ =	swait.ge @!p0 [sflag:s8], $0x0  }
0x24: {  	s3 =	sadd.s32 $0x88, s3;
	s6 =	simm.s32 @!p1 $0x1082;
	[sflag:s4] =	ssyncset.s32 $0xFFFFF086  }
0x25: {  	[simem:s6], [sflag:s4] =	dma.local [hbm:s3], $0xF7A  }
0x26: {  	[smem:$0x3F9D] =	sst s1;
	(tag) =	ssettag s2;
	_ =	strace s9  }
0x27: {  	s1 =	sld [smem:$0x3FAD]  }
0x28: {  	s2 =	sld [smem:$0x3FAE]  }
0x29: {  	s4 =	sld [smem:$0x3FB0]  }
0x2a: {  	p0 =	seq.s32 s5, $0x0;
	s5 =	sld [smem:$0x3FB1]  }
0x2b: {  	s6 =	sld [smem:$0x3FB2]  }
0x2c: {  	s7 =	sld [smem:$0x3FB3]  }
0x2d: {  	s3 =	simm.s32 $0x108;
	s8 =	sld [smem:$0x3FB4]  }
0x2e: {  	s3 =	simm.s32 @!p0 $0x1082;
	s9 =	sld [smem:$0x3FB5]  }
0x2f: {  	lr =	sadd.s32 s0, s3;
	s0 =	sld [smem:$0x3FAC]  }
0x30: {  	s3 =	sld [smem:$0x3FAF]  }
0x31: {  	[smem:$0x3FB8] =	sst s10  }
0x32: {  	s10 =	sld [smem:$0x3FB6];
	_ =	sdelay $0x3  }
0x33: {  	p0 =	seq.s32 s10, $0x1;
	s10 =	sld [smem:$0x3FB8];
	_ =	sdelay $0x3  }
0x34: {  	[smem:$0x3FB8] =	sst s10  }
0x35: {  	s10 =	sld [smem:$0x3FB7];
	_ =	sdelay $0x3  }
0x36: {  	p1 =	seq.s32 s10, $0x1;
	s10 =	sld [smem:$0x3FB8];
	_ =	sdelay $0x3  }
0x37: {  	[smem:$0x3FB8] =	sst s10  }
0x38: {  	s10 =	sld [smem:$0x3FB9]  }
0x39: {  	_ = 	snop;
	(pc) =	sbr.ind lr, $3  }
0x3a: {  	_ = 	snop  }
0x3b: {  	_ = 	snop  }
0x3c: {  	p2 =	seq.s32 s10, $0x1;
	s10 =	sld [smem:$0x3FB8]  }
0x3d: {  	_ =	shalt  }
0x3e: {  	_ =	shalt  }
0x3f: {  	_ =	shalt  }
0x40: {  	_ =	shalt  }
0x41: {  	_ =	shalt  }
0x42: {  	_ =	shalt  }
0x43: {  	_ =	shalt  }
0x44: {  	_ =	shalt  }
0x45: {  	_ =	shalt  }
0x46: {  	_ =	shalt  }
0x47: {  	_ =	shalt  }
0x48: {  	_ =	shalt  }
0x49: {  	_ =	shalt  }
0x4a: {  	_ =	shalt  }
0x4b: {  	_ =	shalt  }
0x4c: {  	_ =	shalt  }
0x4d: {  	_ =	shalt  }
0x4e: {  	_ =	shalt  }
0x4f: {  	_ =	shalt  }
0x50: {  	_ =	shalt  }
0x51: {  	_ =	shalt  }
0x52: {  	_ =	shalt  }
0x53: {  	_ =	shalt  }
0x54: {  	_ =	shalt  }
0x55: {  	_ =	shalt  }
0x56: {  	_ =	shalt  }
0x57: {  	_ =	shalt  }
0x58: {  	_ =	shalt  }
0x59: {  	_ =	shalt  }
0x5a: {  	_ =	shalt  }
0x5b: {  	_ =	shalt  }
0x5c: {  	_ =	shalt  }
0x5d: {  	_ =	shalt  }
0x5e: {  	_ =	shalt  }
0x5f: {  	_ =	shalt  }
0x60: {  	_ =	shalt  }
0x61: {  	_ =	shalt  }
0x62: {  	_ =	shalt  }
0x63: {  	_ =	shalt  }
0x64: {  	_ =	shalt  }
0x65: {  	_ =	shalt  }
0x66: {  	_ =	shalt  }
0x67: {  	_ =	shalt  }
0x68: {  	_ =	shalt  }
0x69: {  	_ =	shalt  }
0x6a: {  	_ =	shalt  }
0x6b: {  	_ =	shalt  }
0x6c: {  	_ =	shalt  }
0x6d: {  	_ =	shalt  }
0x6e: {  	_ =	shalt  }
0x6f: {  	_ =	shalt  }
0x70: {  	_ =	shalt  }
0x71: {  	_ =	shalt  }
0x72: {  	_ =	shalt  }
0x73: {  	_ =	shalt  }
0x74: {  	_ =	shalt  }
0x75: {  	_ =	shalt  }
0x76: {  	_ =	shalt  }
0x77: {  	_ =	shalt  }
0x78: {  	_ =	shalt  }
0x79: {  	_ =	shalt  }
0x7a: {  	_ =	shalt  }
0x7b: {  	_ =	shalt  }
0x7c: {  	_ =	shalt  }
0x7d: {  	_ =	shalt  }
0x7e: {  	_ =	shalt  }
0x7f: {  	_ =	shalt  }
0x80: {  	_ =	shalt  }
0x81: {  	_ =	shalt  }
0x82: {  	_ =	shalt  }
0x83: {  	_ =	shalt  }
0x84: {  	_ =	shalt  }
0x85: {  	_ =	shalt  }
0x86: {  	_ =	shalt  }
0x87: {  	_ =	shalt  }
.Lfunc_end0:
.L_simem_size_0:
called_computation_lowered:
.L_overlay_start_0:
0x88: {  	s2 =	sld [smem:$0x3FD9]  }
0x89: {  	s3 =	sld [smem:$0x3FFE];
	_ =	sdelay $0x1  }
0x8a: {  	s1 =	srdreg.scid  }
0x8b: {  	s0 =	sand.u32 $0x1, s1  }
0x8c: {  	s14 =	sshll.u32 s0, $0xA;
	s2 =	sadd.s32 s3, s2  }
0x8d: {  	s2 =	sadd.s32 s2, s14  }
0x8e: {  	[smem:$0x3FC4] =	sst s2  }
0x8f: {  	_ = 	snop  }
0x90: {  	s2 =	sld [smem:$0x3FD0];
	_ =	sdelay $0x2  }
0x91: {  	s15 =	simm.s32 $0xA;
	s4 =	simm.s32 $0x10  }
0x92: {  	[smem:s4], [sflag:s15] =	dma.local [hbm:s2], $0x1  }
0x93: {  	_ =	swait.eq [sflag:s15], $0x1  }
0x94: {  	[sflag:s15] =	ssyncset.done $0x0  }
0x95: {  	[sflag:s15] =	ssyncadd.s32 $0xFFFFFFFF  }
0x96: {  	s16 =	sld [smem:$0x12];
	(tm) =	ssettm $0x1  }
0x97: {  	s17 =	sld [smem:$0x3FFB];
	_ =	sdelay $0x3  }
0x98: {  	_ =	strace s17  }
0x99: {  	s3 =	sld [smem:$0x3FFC];
	_ =	sdelay $0x3  }
0x9a: {  	_ =	strace s3  }
0x9b: {  	s3 =	sld [smem:$0x3FFD];
	_ =	sdelay $0x3  }
0x9c: {  	_ =	strace s3  }
0x9d: {  	_ =	strace $0x8FFFFFFF  }
0x9e: {  	s18 =	sld [smem:$0x3FDB];
	_ =	sdelay $0x1  }
0x9f: {  	s19 =	simm.s32 $_scs_section_size  }
0xa0: {  	s5 =	simm.s32 $_size__tile_overlayer_lowered;
	s6 =	simm.s32 $_tile_overlayer_lowered  }
0xa1: {  	s22 =	simm.s32 $0x1BFF;
	s21 =	sshll.u32 s6, $0x1;
	s3 =	sadd.s32 s19, s18  }
0xa2: {  	s7 =	simm.s32 $0x0;
	s20 =	sshll.u32 s5, $0x1;
	s5 =	sadd.s32 s21, s3  }
0xa3: {  	[timem:s7], [sflag:s22] =	dma.local [hbm:s5], s20  }
0xa4: {  	_ =	swait.ge [sflag:s22], s20  }
0xa5: {  	s4 =	ssub.s32 $0x0, s20;
	[sflag:s22] =	ssyncset.done $0x0  }
0xa6: {  	[sflag:s22] =	ssyncadd.s32 s4;
	_ =	sdelay $0x1  }
0xa7: {  	s23 =	simm.s32 $0x1B8B  }
0xa8: {  	_ =	swait.ge [sflag:s23], $0x1  }
0xa9: {  	[sflag:s23] =	ssyncset.done $0x0  }
0xaa: {  	s25 =	simm.s32 $0x1B8E;
	s24 =	sld [smem:$0x3FFE];
	[sflag:s23] =	ssyncadd.s32 $0xFFFFFFFF  }
0xab: {  	s26 =	simm.s32 $execute0_lowered;
	[smem:$0x3FD2] =	sst s25  }
0xac: {  	s5 =	sshll.u32 s26, $0x1;
	_ =	strace $0x80000046;
	[dreg:$0x1] =	wrdreg $0xFFFFFFFF  }
0xad: {  	s28 =	simm.s32 $_size_execute0_lowered;
	s3 =	sadd.s32 s3, s5;
	[dreg:$0x0] =	wrdreg $0x0  }
0xae: {  	s5 =	sshll.u32 s28, $0x1;
	[dreg:$0x2] =	wrdreg s3  }
0xaf: {  	[dreg:$0x3] =	wrdreg s5  }
0xb0: {  	[dreg:$0x4] =	wrdreg $0xC0  }
0xb1: {  	_ =	task [dreg:s7], $0x5FFFF  }
0xb2: {  	[dreg:$0x1] =	wrdreg $0xFFFFFFFF  }
0xb3: {  	[dreg:$0x0] =	wrdreg $0x60  }
0xb4: {  	[dreg:$0x2] =	wrdreg s24  }
0xb5: {  	[dreg:$0x3] =	wrdreg s16  }
0xb6: {  	[dreg:$0x4] =	wrdreg $0x9  }
0xb7: {  	_ =	task.clear_ibuf [dreg:s7], $0x5FFFF;
	_ =	strace $0x90000046  }
0xb8: {  	s29 =	simm.s32 $0x9;
	_ =	strace $0x80000048  }
0xb9: {  	_ =	swait.ge [sflag:s29], $0x1  }
0xba: {  	[sflag:s29] =	ssyncadd.s32 $0xFFFFFFFF  }
0xbb: {  	_ =	strace $0x90000048  }
0xbc: {  	_ =	sfence  }
0xbd: {  	s30 =	sld [smem:$0x0];
	_ =	sdelay $0x2  }
0xbe: {  	s31 =	sshll.u32 s1, $0xD;
	s1 =	sshrl.u32 s1, $0x2  }
0xbf: {  	s3 =	sand.u32 $0x4000, s31;
	s1 =	sadd.s32 s1, s30  }
0xc0: {  	s0 =	sor.u32 s3, s0;
	s1 =	sshll.u32 s1, $0x11  }
0xc1: {  	s0 =	sor.u32 s1, s0  }
0xc2: {  	s0 =	sadd.s32 $0x8F2B, s0  }
0xc3: {  	[sflag:s0] =	ssyncadd.remote.s32 $0x1  }
0xc4: {  	_ =	sfence.sel $0xFFFF  }
0xc5: {  	[dreg:$0x0] =	wrdreg $0xFFFFFFFF;
	(pc) =	sbr.abs _section_cstart, $3  }
0xc6: {  	[dreg:$0x1] =	wrdreg $0xFFFFFFFF  }
0xc7: {  	_ =	task.clear_ibuf [dreg:s7], $0x2FFFF;
	_ =	strace $0x9FFFFFFF  }
0xc8: {  	(tm) =	ssettm $0x7FFFFFFF  }
0xc9: {  	_ =	shalt  }
tec
execute0_lowered:
.L_overlay_start_1:
0x0: {  	(tag) =	ssettag $0x1  }
0x1: {  	s8 =	rddreg [dreg:$0x0]  }
0x2: {  	s2 =	rddreg [dreg:$0x1]  }
0x3: {  	s0 =	rddreg [dreg:$0x2];
	s1 =	stileid.u32  }
0x4: {  	s3 =	srdreg.scid;
	_ =	strace $0x80000047;
	s4 =	simm.s32 $0x1  }
0x5: {  	s7 =	simm.s32 $0x1;
	s9 =	simm.s32 $0x1;
	s10 =	simm.s32 $0x3  }
0x6: {  	s13 =	simm.s32 $0x0;
	s5 =	sand.u32 $0x1, s3;
	s6 =	sshll.u32 s1, $0x1  }
0x7: {  	s12 =	simm.s32 $0x0;
	s3 =	sadd.s32 $0xC00, s8;
	s5 =	sor.u32 s6, s5  }
.Ltmp0:
0x8: {  	[sflag:s4] =	ssyncpa.u1 $0x0;
	p0 =	slt.u32 s5, $0x9;
	(pc) =	sbr.rel .LBB2_1-.Ltmp0, $4  }
0x9: {  	s6 =	simm.s32 $0x2;
	s7 =	simm.s32 @!p0 $0x0;
	p0 =	sne.s32 s5, $0x8  }
0xa: {  	[sflag:s6] =	ssyncpa.u1 $0x0;
	s5 =	smul.u32 $0xF0, s5;
	s9 =	simm.s32 @!p0 $0x0  }
0xb: {  	s8 =	sadd.s32 $0x14600, s8;
	[sflag:s10] =	ssyncpa.u1 $0x0;
	s7 =	sadd.s32 s9, s7  }
0xc: {  	vm0 =	vmmov $0xffff;
	s10 =	simm.s32 $0x0;
	s11 =	smov.u32 s5;
	s9 =	sadd.s32 $0x1, s7  }
.LBB2_4:
0xd: {  	v6 =	vand.u32 $0x7F, v3;
	v4 =	vsel vm1, $0xFFFEC600, v4  }
0xe: {  	v5 =	vmul.u32 $0x13A00, v5;
	vm1 =	vmmov vm2;
	v56 =	vshll.u32 v3, $0x2  }
0xf: {  	v7 =	vand.u32 $0x7, v1;
	v2 =	vshll.u32 v2, $0x7;
	v57 =	vshrl.u32 v1, $0x3  }
0x10: {  	v58 =	vshrl.u32 v1, $0x5;
	v4 =	vor.u32 v4, v6;
	v3 =	vand.u32 $0xFFFFFE00, v56  }
0x11: {  	v2 =	vand.u32 $0x180, v2;
	v4 =	vadd.s32 v5, v4;
	v5 =	vand.u32 $0x3, v57  }
0x12: {  	v1 =	vand.u32 $0x7FFF, v58;
	v59 =	vmul.u32 $0x13A00, v7;
	v5 =	vsel vm1, $0xFFFFFFFF, v5  }
0x13: {  	v1 =	vsel vm1, $0xFFFFFFFF, v1;
	v3 =	vadd.s32 v3, v4;
	v60 =	vshrl.u32 v5, $0x2  }
0x14: {  	v61 =	vand.u32 $0x7F, v1;
	v6 =	vsel vm1, $0xFFFEC600, v59;
	v4 =	vmul.u32 $0x13A00, v60  }
0x15: {  	v1 =	vshll.u32 v1, $0x2;
	v2 =	vor.u32 v2, v3;
	v62 =	vor.u32 v6, v61  }
0x16: {  	v1 =	vand.u32 $0xFFFFFE00, v1;
	v5 =	vshll.u32 v5, $0x7;
	v3 =	vadd.s32 v4, v62  }
0x17: {  	v63 =	vand.u32 $0x180, v5;
	v1 =	vadd.s32 v1, v3  }
0x18: {  	(ifvalue) =	ssetifvalue $0x7FFFFFFF;
	s15 =	sadd.s32 $0x10, s15;
	v1 =	vor.u32 v63, v1  }
0x19: {  	[tilespmem:s15], [sflag:$0x1] =	stream.indirect_vreg.gather [hbm4b:s3+s10], $0x1, v0, vm0, $0x4038;
	[tilespmem:$0x3C0] =	vst v63  }
0x1a: {  	(ifvalue) =	ssetifvalue $0x7FFFFFFF;
	s15 =	sadd.s32 $0x10, s15  }
0x1b: {  	[tilespmem:s15], [sflag:$0x1] =	stream.indirect_vreg.gather [hbm4b:s3+s10], $0x1, v2, vm0, $0x4038;
	[tilespmem:$0x3C0] =	vst v63  }
0x1c: {  	(ifvalue) =	ssetifvalue $0x7FFFFFFF;
	s15 =	sadd.s32 $0x10, s15  }
0x1d: {  	[tilespmem:s15], [sflag:$0x1] =	stream.indirect_vreg.gather [hbm4b:s3+s10], $0x1, v1, vm0, $0x4038;
	[tilespmem:$0x3C0] =	vst v63  }
0x1e: {  	_ =	swait.ge [sflag:s4], $0xF0  }
0x1f: {  	s30 =	sshrl.u32 s13, $0x3;
	[sflag:s4] =	ssyncset.done $0x0  }
0x20: {  	s31 =	sand.u32 $0x7, s13;
	s15 =	sadd.s32 s8, s30;
	[sflag:s4] =	ssyncadd.s32 $0xFFFFFF10  }
0x21: {  	[hbm4b:s15+s31] =	stream.linear.scatter [tilespmem:s14], [sflag:$0x3], $0xF0, $0x38;
	[tilespmem:$0x3C0] =	vst v63  }
.LBB2_5:
0x22: {  	s15 =	sadd.s32 $0x1E00, s11  }
0x23: {  	p1 =	sgt.s32 s15, $0x257F  }
0x24: {  	s15 =	smov.u32 @p1 s5;
	p1 =	sne.s32 s12, s9  }
.Ltmp1:
0x25: {  	p0 =	slt.u32 s12, $0x2;
	(pc) =	sbr.rel @!p1 .LBB2_6-.Ltmp1, $4  }
0x26: {  	s14 =	simm.s32 @!p0 $0x3  }
0x27: {  	_ =	swait.ge @!p0 [sflag:s14], $0xF0  }
0x28: {  	s16 =	sadd.s32 $0x1, s12;
	s13 =	smov.u32 s11;
	[sflag:s14] =	ssyncset.done @!p0 $0x0  }
0x29: {  	s12 =	smov.u32 s16;
	s11 =	smov.u32 s15;
	[sflag:s14] =	ssyncadd.s32 @!p0 $0xFFFFFF10  }
.LBB2_1:
0x2a: {  	p0 =	sge.u32 s12, s7  }
0x2b: {  	s14 =	sxor.u32 @!p0 $0x1, s12  }
0x2c: {  	s14 =	smul.u32 @!p0 $0x3C0, s14  }
0x2d: {  	s31 =	sadd.s32 $0xFFFFFFFF, s12;
	s15 =	sshrl.u32 @!p0 s11, $0x3  }
0x2e: {  	s16 =	sand.u32 @!p0 $0x7, s11;
	s15 =	sadd.s32 @!p0 s2, s15;
	s14 =	sshra.s32 @!p0 s14, $0x2  }
0x2f: {  	[tilespmem:s14], [sflag:$0x2] =	stream.linear.gather @!p0 [hbm4b:s15+s16], $0xF0, $0x38;
	[tilespmem:$0x3C0] =	vst v63  }
0x30: {  	p0 =	sge.u32 s31, s7  }
.Ltmp2:
0x31: {  	_ = 	snop;
	(pc) =	sbr.rel @p0 .LBB2_5-.Ltmp2, $1  }
0x32: {  	_ =	sdelay $0x3  }
0x33: {  	s14 =	sand.u32 $0x1, s12  }
0x34: {  	_ =	swait.ge [sflag:s6], $0xF0;
	p0 =	seq.s32 s14, $0x1;
	s14 =	simm.s32 $0xF0  }
0x35: {  	[sflag:s6] =	ssyncset.done $0x0;
	s14 =	simm.s32 @!p0 $0x0  }
0x36: {  	[sflag:s6] =	ssyncadd.s32 $0xFFFFFF10;
	(ifvalue) =	ssetifvalue $0x7FFFFFFF;
	v0 =	vld.msk [tilespmem:s14+$0x0 ss:$0x1], $0xffff;
	_ =	sdelay $0x1  }
0x37: {  	s15 =	sadd.s32 $0x10, s14  }
0x38: {  	v1 =	vld.msk [tilespmem:s15+$0x0 ss:$0x1], $0xffff;
	s15 =	sadd.s32 $0x10, s15  }
0x39: {  	v6 =	vld.msk [tilespmem:s15+$0x0 ss:$0x1], $0xffff  }
0x3a: {  	vm1 =	veq.s32 v0, $0x80000000;
	v2 =	vand.u32 $0x7, v0  }
0x3b: {  	v3 =	vshrl.u32 v0, $0x3;
	v0 =	vshrl.u32 v0, $0x5;
	vm1 =	vmmov vm1  }
0x3c: {  	v3 =	vand.u32 $0x3, v3;
	v0 =	vand.u32 $0x7FFF, v0;
	v2 =	vmul.u32 $0x13A00, v2  }
0x3d: {  	vm2 =	veq.s32 v1, $0x80000000;
	v7 =	vand.u32 $0x7, v1;
	v3 =	vsel vm1, $0xFFFFFFFF, v3  }
0x3e: {  	v0 =	vsel vm1, $0xFFFFFFFF, v0;
	v8 =	vand.u32 $0x7, v6;
	v4 =	vshrl.u32 v3, $0x2  }
0x3f: {  	v5 =	vand.u32 $0x7F, v0;
	v2 =	vsel vm1, $0xFFFEC600, v2;
	vm1 =	vmmov vm2  }
0x40: {  	v0 =	vshll.u32 v0, $0x2;
	v3 =	vshll.u32 v3, $0x7;
	v4 =	vmul.u32 $0x13A00, v4  }
0x41: {  	v2 =	vor.u32 v2, v5;
	v0 =	vand.u32 $0xFFFFFE00, v0;
	v3 =	vand.u32 $0x180, v3  }
0x42: {  	v2 =	vadd.s32 v4, v2;
	v4 =	vshrl.u32 v1, $0x3;
	v1 =	vshrl.u32 v1, $0x5  }
0x43: {  	v0 =	vadd.s32 v0, v2;
	v2 =	vand.u32 $0x3, v4;
	v1 =	vand.u32 $0x7FFF, v1  }
0x44: {  	v0 =	vor.u32 v3, v0;
	v2 =	vsel vm1, $0xFFFFFFFF, v2;
	v3 =	vmul.u32 $0x13A00, v7  }
0x45: {  	vm2 =	veq.s32 v6, $0x80000000;
	v4 =	vsel vm1, $0xFFFFFFFF, v1;
	v1 =	vshrl.u32 v2, $0x2  }
0x46: {  	s15 =	sadd.s32 $0x10, s15;
	v5 =	vand.u32 $0x7F, v4;
	v3 =	vsel vm1, $0xFFFEC600, v3;
	v7 =	vmul.u32 $0x13A00, v1  }
0x47: {  	v4 =	vshll.u32 v4, $0x2;
	v2 =	vshll.u32 v2, $0x7;
	v1 =	vld.msk [tilespmem:s15+$0x0 ss:$0x1], $0xffff;
	v3 =	vor.u32 v3, v5  }
0x48: {  	vm1 =	vmmov vm2;
	v4 =	vand.u32 $0xFFFFFE00, v4;
	v3 =	vadd.s32 v7, v3  }
0x49: {  	s14 =	sadd.s32 $0x1E0, s14;
	(ifvalue) =	ssetifvalue $0x7FFFFFFF;
	v2 =	vand.u32 $0x180, v2;
	v5 =	vshrl.u32 v6, $0x3;
	v3 =	vadd.s32 v4, v3  }
0x4a: {  	[tilespmem:s14], [sflag:$0x1] =	stream.indirect_vreg.gather [hbm4b:s3+s10], $0x1, v0, vm0, $0x4038;
	v4 =	vand.u32 $0x3, v5;
	v5 =	vshrl.u32 v6, $0x5;
	v0 =	vor.u32 v2, v3;
	[tilespmem:$0x3C0] =	vst v63  }
0x4b: {  	v2 =	vsel vm1, $0xFFFFFFFF, v4;
	v3 =	vand.u32 $0x7FFF, v5;
	v4 =	vmul.u32 $0x13A00, v8  }
0x4c: {  	s16 =	simm.s32 $0x30;
	s17 =	sadd.s32 $0x10, s15;
	s15 =	smov.u32 s14;
	vm2 =	veq.s32 v1, $0x80000000;
	v3 =	vsel vm1, $0xFFFFFFFF, v3;
	v5 =	vshrl.u32 v2, $0x2  }
.LBB2_3:
0x4d: {  	v7 =	vand.u32 $0x7F, v3  }
0x4e: {  	v6 =	vld.msk [tilespmem:s17+$0x0 ss:$0x1], $0xffff;
	v4 =	vsel vm1, $0xFFFEC600, v4;
	v5 =	vmul.u32 $0x13A00, v5;
	vm1 =	vmmov vm2;
	s16 =	sadd.s32 $0x10, s16  }
0x4f: {  	v8 =	vand.u32 $0x7, v1;
	v3 =	vshll.u32 v3, $0x2;
	s15 =	sadd.s32 $0x10, s15;
	v4 =	vor.u32 v4, v7;
	(ifvalue) =	ssetifvalue $0x7FFFFFFF;
	p0 =	slt.u32 s16, $0xE0  }
0x50: {  	[tilespmem:s15], [sflag:$0x1] =	stream.indirect_vreg.gather [hbm4b:s3+s10], $0x1, v0, vm0, $0x4038;
	[tilespmem:$0x3C0] =	vst v63  }
.Ltmp3:
0x51: {  	v2 =	vshll.u32 v2, $0x7;
	v3 =	vand.u32 $0xFFFFFE00, v3;
	v4 =	vadd.s32 v5, v4;
	(pc) =	sbr.rel @p0 .LBB2_3-.Ltmp3, $4  }
0x52: {  	v2 =	vand.u32 $0x180, v2;
	v0 =	vshrl.u32 v1, $0x3;
	v3 =	vadd.s32 v3, v4  }
0x53: {  	v9 =	vshrl.u32 v1, $0x5;
	v4 =	vand.u32 $0x3, v0;
	v0 =	vor.u32 v2, v3  }
0x54: {  	v7 =	vand.u32 $0x7FFF, v9;
	v2 =	vsel vm1, $0xFFFFFFFF, v4;
	v4 =	vmul.u32 $0x13A00, v8  }
0x55: {  	s17 =	sadd.s32 $0x10, s17;
	v3 =	vsel vm1, $0xFFFFFFFF, v7;
	vm2 =	veq.s32 v6, $0x80000000;
	v5 =	vshrl.u32 v2, $0x2;
	v1 =	vmovc v6  }
.Ltmp4:
0x56: {  	_ = 	snop;
	(pc) =	sbr.rel .LBB2_4-.Ltmp4, $1  }
0x57: {  	_ =	sdelay $0x3  }
.LBB2_6:
0x58: {  	_ =	sfence.sel $0x180000  }
0x59: {  	s2 =	simm.s32 $0x2;
	[bflag:$0x0] =	sbarrier.arrive $0xFFFF  }
0x5a: {  	s30 =	simm.s32 $0x3;
	[sflag:s2] =	ssyncpa.u1 $0x1  }
0x5b: {  	s31 =	simm.s32 $0x1;
	[sflag:s30] =	ssyncpa.u1 $0x1  }
0x5c: {  	[sflag:s31] =	ssyncpa.u1 $0x1  }
0x5d: {  	p0 =	sne.s32 s1, $0x0;
	_ =	strace $0x90000047  }
0x5e: {  	s0 =	sadd.s32 @!p0 $0x100000, s0;
	[bflag:$0x2] =	sbarrier.arrive $0xFFFF  }
0x5f: {  	[sflag:s0] =	ssyncadd.tile.s32 @!p0 $0x1;
	_ =	shalt  }
.Lfunc_end2:
_tile_overlayer_lowered:
.L_overlay_start_2:
0x60: {  	(tag) =	ssettag $0x2  }
0x61: {  	s0 =	rddreg [dreg:$0x0];
	s2 =	stileid.u32  }
0x62: {  	s1 =	rddreg [dreg:$0x1];
	p0 =	sne.s32 s2, $0x0  }
0x63: {  	s3 =	rddreg [dreg:$0x2];
	[bflag:$0x3] =	sbarrier.arrive $0xFFFF;
	s2 =	simm.s32 @!p0 $0x1C01  }
0x64: {  	[timem:s3], [sflag:s2] =	dma.local @!p0 [hbm:s0], s1  }
0x65: {  	s0 =	simm.s32 @!p0 $0x1  }
0x66: {  	_ =	swait.ge @!p0 [sflag:s0], s1  }
0x67: {  	s1 =	ssub.s32 @!p0 $0x0, s1;
	[sflag:s0] =	ssyncset.done @!p0 $0x0  }
0x68: {  	[sflag:s0] =	ssyncadd.s32 @!p0 s1  }
0x69: {  	[bflag:$0x3] =	sbarrier.arrive $0xFFFF  }
0x6a: {  	_ =	shalt  }

</sc_bundles>
